<compile_context>
chip_gen: v7x
topology: tpu7x:2x2x1
jax: 0.10.2.dev20260603
libtpu: 0.0.44.dev20260713+nightly
codegen_flags: <defaults>
</compile_context>

<pallas_src>
import functools

import jax
import jax.numpy as jnp
from jax import lax
from jax.experimental import pallas as pl
from jax.experimental.pallas import tpu as pltpu
from jax.experimental.pallas import tpu_sc as plsc

_N = 100000
_H = 128
_WORDS = _N * _H
_NC = 2
_PER_C = _WORDS // _NC
_CHUNK = 400_000
_NCHUNK = _PER_C // _CHUNK
_NBUF = 4


@functools.partial(
    pl.kernel,
    mesh=plsc.ScalarSubcoreMesh(axis_name="c", num_cores=_NC),
    out_type=jax.ShapeDtypeStruct((_WORDS,), jnp.float32),
    scratch_types=(
        [pltpu.VMEM_SHARED((_CHUNK,), jnp.float32) for _ in range(_NBUF)]
        + [pltpu.SemaphoreType.DMA for _ in range(2 * _NBUF)]
    ),
)
def _sc_copy(tab_hbm, out_hbm, *scratch):
    bufs = scratch[:_NBUF]
    sin = scratch[_NBUF:2 * _NBUF]
    sout = scratch[2 * _NBUF:]
    base = lax.axis_index("c") * _PER_C

    def in_copy(i):
        return pltpu.async_copy(
            tab_hbm.at[pl.ds(base + i * _CHUNK, _CHUNK)],
            bufs[i % _NBUF],
            sin[i % _NBUF],
        )

    def out_copy(i):
        return pltpu.async_copy(
            bufs[i % _NBUF],
            out_hbm.at[pl.ds(base + i * _CHUNK, _CHUNK)],
            sout[i % _NBUF],
        )

    hin = [None] * _NBUF
    hout = {}
    out_waited = set()
    for j in range(min(_NBUF - 1, _NCHUNK)):
        hin[j % _NBUF] = in_copy(j)
    for i in range(_NCHUNK):
        b = i % _NBUF
        hin[b].wait()
        hout[i] = out_copy(i)
        j = i + _NBUF - 1
        if j < _NCHUNK:
            prev = j - _NBUF
            if prev >= 0:
                hout[prev].wait()
                out_waited.add(prev)
            hin[j % _NBUF] = in_copy(j)
    for i in range(_NCHUNK):
        if i not in out_waited:
            hout[i].wait()


def kernel(table):
    flat = table.reshape(_WORDS)
    return _sc_copy(flat).reshape(_N, _H)

# --- scband reference (transcript-rebuilt; emitter-appended) ---
"""Pipeline reference for scband-special-token-embedding-46789373722991 (READ-ONLY COPY).

The authoritative reference and input builder live on the scoring server;
editing this copy changes nothing except your own understanding.
"""

import jax, jax.numpy as jnp
import numpy as np

NUM_SPECIAL_TOKENS = 100000
HIDDEN_SIZE = 128

def setup_inputs(seed: int = 0) -> dict:
    key = jax.random.key(seed)
    # Learned parameter: the embedding table (nn.Embedding weight)
    table = jax.random.normal(key, (NUM_SPECIAL_TOKENS, HIDDEN_SIZE), dtype=jnp.float32)
    return {"table": table}

def reference(table):
    # forward(): special_tokens = arange(num_special_tokens); embed lookup
    special_tokens = jnp.arange(NUM_SPECIAL_TOKENS, dtype=jnp.int64)
    special_embeddings = jnp.take(table, special_tokens, axis=0)
    return special_embeddings

if __name__ == "__main__":
    import jax
    _d = setup_inputs()
    print(jax.jit(kernel)(*tuple(_d.values())))

</pallas_src>

<mosaic_0001>
#map = affine_map<(d0) -> (0)>
module attributes {stable_mosaic.version = 14 : i64} {
  func.func @_sc_copy(%arg0: i32, %arg1: memref<12800000xf32, #tpu.memory_space<hbm>>, %arg2: memref<12800000xf32, #tpu.memory_space<hbm>>, %arg3: memref<400000xf32, #tpu.memory_space<vmem_shared>>, %arg4: memref<400000xf32, #tpu.memory_space<vmem_shared>>, %arg5: memref<400000xf32, #tpu.memory_space<vmem_shared>>, %arg6: memref<400000xf32, #tpu.memory_space<vmem_shared>>, %arg7: memref<!tpu.dma_semaphore, #tpu.memory_space<semaphore_mem>>, %arg8: memref<!tpu.dma_semaphore, #tpu.memory_space<semaphore_mem>>, %arg9: memref<!tpu.dma_semaphore, #tpu.memory_space<semaphore_mem>>, %arg10: memref<!tpu.dma_semaphore, #tpu.memory_space<semaphore_mem>>, %arg11: memref<!tpu.dma_semaphore, #tpu.memory_space<semaphore_mem>>, %arg12: memref<!tpu.dma_semaphore, #tpu.memory_space<semaphore_mem>>, %arg13: memref<!tpu.dma_semaphore, #tpu.memory_space<semaphore_mem>>, %arg14: memref<!tpu.dma_semaphore, #tpu.memory_space<semaphore_mem>>) attributes {dimension_semantics = [#tpu.dimension_semantics<core_parallel>], iteration_bounds = array<i64: 2>, scalar_prefetch = 0 : i64, scratch_operands = 12 : i64, tpu.core_type = #tpu.core_type<sc_scalar_subcore>, window_params = [{transform_indices = #map}, {transform_indices = #map}]} {
    %mul3A = arith.constant 6400000 : i32
    %mul3A_0 = arith.muli %arg0, %mul3A : i32
    %add3A = arith.constant 0 : i32
    %add3A_1 = arith.addi %mul3A_0, %add3A : i32
    %dma_start3A = tpu.memref_slice %arg1[%add3A_1] : memref<12800000xf32, #tpu.memory_space<hbm>> -> memref<400000xf32, #tpu.memory_space<hbm>>
    tpu.enqueue_dma source(%dma_start3A : memref<400000xf32, #tpu.memory_space<hbm>>) target(%arg3 : memref<400000xf32, #tpu.memory_space<vmem_shared>>) target_semaphore(%arg7 : memref<!tpu.dma_semaphore, #tpu.memory_space<semaphore_mem>>)
    %add3A_2 = arith.constant 400000 : i32
    %add3A_3 = arith.addi %mul3A_0, %add3A_2 : i32
    %dma_start3A_4 = tpu.memref_slice %arg1[%add3A_3] : memref<12800000xf32, #tpu.memory_space<hbm>> -> memref<400000xf32, #tpu.memory_space<hbm>>
    tpu.enqueue_dma source(%dma_start3A_4 : memref<400000xf32, #tpu.memory_space<hbm>>) target(%arg4 : memref<400000xf32, #tpu.memory_space<vmem_shared>>) target_semaphore(%arg8 : memref<!tpu.dma_semaphore, #tpu.memory_space<semaphore_mem>>)
    %add3A_5 = arith.constant 800000 : i32
    %add3A_6 = arith.addi %mul3A_0, %add3A_5 : i32
    %dma_start3A_7 = tpu.memref_slice %arg1[%add3A_6] : memref<12800000xf32, #tpu.memory_space<hbm>> -> memref<400000xf32, #tpu.memory_space<hbm>>
    tpu.enqueue_dma source(%dma_start3A_7 : memref<400000xf32, #tpu.memory_space<hbm>>) target(%arg5 : memref<400000xf32, #tpu.memory_space<vmem_shared>>) target_semaphore(%arg9 : memref<!tpu.dma_semaphore, #tpu.memory_space<semaphore_mem>>)
    %dma_wait3A = tpu.memref_slice %arg1[%add3A_1] : memref<12800000xf32, #tpu.memory_space<hbm>> -> memref<400000xf32, #tpu.memory_space<hbm>>
    tpu.wait_dma2 semaphore(%arg7 : memref<!tpu.dma_semaphore, #tpu.memory_space<semaphore_mem>>) src(%dma_wait3A : memref<400000xf32, #tpu.memory_space<hbm>>) dst(%arg3 : memref<400000xf32, #tpu.memory_space<vmem_shared>>)
    %add3A_8 = arith.constant 0 : i32
    %add3A_9 = arith.addi %mul3A_0, %add3A_8 : i32
    %dma_start3A_10 = tpu.memref_slice %arg2[%add3A_9] : memref<12800000xf32, #tpu.memory_space<hbm>> -> memref<400000xf32, #tpu.memory_space<hbm>>
    tpu.enqueue_dma source(%arg3 : memref<400000xf32, #tpu.memory_space<vmem_shared>>) target(%dma_start3A_10 : memref<400000xf32, #tpu.memory_space<hbm>>) target_semaphore(%arg11 : memref<!tpu.dma_semaphore, #tpu.memory_space<semaphore_mem>>)
    %add3A_11 = arith.constant 1200000 : i32
    %add3A_12 = arith.addi %mul3A_0, %add3A_11 : i32
    %dma_start3A_13 = tpu.memref_slice %arg1[%add3A_12] : memref<12800000xf32, #tpu.memory_space<hbm>> -> memref<400000xf32, #tpu.memory_space<hbm>>
    tpu.enqueue_dma source(%dma_start3A_13 : memref<400000xf32, #tpu.memory_space<hbm>>) target(%arg6 : memref<400000xf32, #tpu.memory_space<vmem_shared>>) target_semaphore(%arg10 : memref<!tpu.dma_semaphore, #tpu.memory_space<semaphore_mem>>)
    %dma_wait3A_14 = tpu.memref_slice %arg1[%add3A_3] : memref<12800000xf32, #tpu.memory_space<hbm>> -> memref<400000xf32, #tpu.memory_space<hbm>>
    tpu.wait_dma2 semaphore(%arg8 : memref<!tpu.dma_semaphore, #tpu.memory_space<semaphore_mem>>) src(%dma_wait3A_14 : memref<400000xf32, #tpu.memory_space<hbm>>) dst(%arg4 : memref<400000xf32, #tpu.memory_space<vmem_shared>>)
    %add3A_15 = arith.constant 400000 : i32
    %add3A_16 = arith.addi %mul3A_0, %add3A_15 : i32
    %dma_start3A_17 = tpu.memref_slice %arg2[%add3A_16] : memref<12800000xf32, #tpu.memory_space<hbm>> -> memref<400000xf32, #tpu.memory_space<hbm>>
    tpu.enqueue_dma source(%arg4 : memref<400000xf32, #tpu.memory_space<vmem_shared>>) target(%dma_start3A_17 : memref<400000xf32, #tpu.memory_space<hbm>>) target_semaphore(%arg12 : memref<!tpu.dma_semaphore, #tpu.memory_space<semaphore_mem>>)
    %dma_wait3A_18 = tpu.memref_slice %arg2[%add3A_9] : memref<12800000xf32, #tpu.memory_space<hbm>> -> memref<400000xf32, #tpu.memory_space<hbm>>
    tpu.wait_dma2 semaphore(%arg11 : memref<!tpu.dma_semaphore, #tpu.memory_space<semaphore_mem>>) src(%arg3 : memref<400000xf32, #tpu.memory_space<vmem_shared>>) dst(%dma_wait3A_18 : memref<400000xf32, #tpu.memory_space<hbm>>)
    %add3A_19 = arith.constant 1600000 : i32
    %add3A_20 = arith.addi %mul3A_0, %add3A_19 : i32
    %dma_start3A_21 = tpu.memref_slice %arg1[%add3A_20] : memref<12800000xf32, #tpu.memory_space<hbm>> -> memref<400000xf32, #tpu.memory_space<hbm>>
    tpu.enqueue_dma source(%dma_start3A_21 : memref<400000xf32, #tpu.memory_space<hbm>>) target(%arg3 : memref<400000xf32, #tpu.memory_space<vmem_shared>>) target_semaphore(%arg7 : memref<!tpu.dma_semaphore, #tpu.memory_space<semaphore_mem>>)
    %dma_wait3A_22 = tpu.memref_slice %arg1[%add3A_6] : memref<12800000xf32, #tpu.memory_space<hbm>> -> memref<400000xf32, #tpu.memory_space<hbm>>
    tpu.wait_dma2 semaphore(%arg9 : memref<!tpu.dma_semaphore, #tpu.memory_space<semaphore_mem>>) src(%dma_wait3A_22 : memref<400000xf32, #tpu.memory_space<hbm>>) dst(%arg5 : memref<400000xf32, #tpu.memory_space<vmem_shared>>)
    %add3A_23 = arith.constant 800000 : i32
    %add3A_24 = arith.addi %mul3A_0, %add3A_23 : i32
    %dma_start3A_25 = tpu.memref_slice %arg2[%add3A_24] : memref<12800000xf32, #tpu.memory_space<hbm>> -> memref<400000xf32, #tpu.memory_space<hbm>>
    tpu.enqueue_dma source(%arg5 : memref<400000xf32, #tpu.memory_space<vmem_shared>>) target(%dma_start3A_25 : memref<400000xf32, #tpu.memory_space<hbm>>) target_semaphore(%arg13 : memref<!tpu.dma_semaphore, #tpu.memory_space<semaphore_mem>>)
    %dma_wait3A_26 = tpu.memref_slice %arg2[%add3A_16] : memref<12800000xf32, #tpu.memory_space<hbm>> -> memref<400000xf32, #tpu.memory_space<hbm>>
    tpu.wait_dma2 semaphore(%arg12 : memref<!tpu.dma_semaphore, #tpu.memory_space<semaphore_mem>>) src(%arg4 : memref<400000xf32, #tpu.memory_space<vmem_shared>>) dst(%dma_wait3A_26 : memref<400000xf32, #tpu.memory_space<hbm>>)
    %add3A_27 = arith.constant 2000000 : i32
    %add3A_28 = arith.addi %mul3A_0, %add3A_27 : i32
    %dma_start3A_29 = tpu.memref_slice %arg1[%add3A_28] : memref<12800000xf32, #tpu.memory_space<hbm>> -> memref<400000xf32, #tpu.memory_space<hbm>>
    tpu.enqueue_dma source(%dma_start3A_29 : memref<400000xf32, #tpu.memory_space<hbm>>) target(%arg4 : memref<400000xf32, #tpu.memory_space<vmem_shared>>) target_semaphore(%arg8 : memref<!tpu.dma_semaphore, #tpu.memory_space<semaphore_mem>>)
    %dma_wait3A_30 = tpu.memref_slice %arg1[%add3A_12] : memref<12800000xf32, #tpu.memory_space<hbm>> -> memref<400000xf32, #tpu.memory_space<hbm>>
    tpu.wait_dma2 semaphore(%arg10 : memref<!tpu.dma_semaphore, #tpu.memory_space<semaphore_mem>>) src(%dma_wait3A_30 : memref<400000xf32, #tpu.memory_space<hbm>>) dst(%arg6 : memref<400000xf32, #tpu.memory_space<vmem_shared>>)
    %add3A_31 = arith.constant 1200000 : i32
    %add3A_32 = arith.addi %mul3A_0, %add3A_31 : i32
    %dma_start3A_33 = tpu.memref_slice %arg2[%add3A_32] : memref<12800000xf32, #tpu.memory_space<hbm>> -> memref<400000xf32, #tpu.memory_space<hbm>>
    tpu.enqueue_dma source(%arg6 : memref<400000xf32, #tpu.memory_space<vmem_shared>>) target(%dma_start3A_33 : memref<400000xf32, #tpu.memory_space<hbm>>) target_semaphore(%arg14 : memref<!tpu.dma_semaphore, #tpu.memory_space<semaphore_mem>>)
    %dma_wait3A_34 = tpu.memref_slice %arg2[%add3A_24] : memref<12800000xf32, #tpu.memory_space<hbm>> -> memref<400000xf32, #tpu.memory_space<hbm>>
    tpu.wait_dma2 semaphore(%arg13 : memref<!tpu.dma_semaphore, #tpu.memory_space<semaphore_mem>>) src(%arg5 : memref<400000xf32, #tpu.memory_space<vmem_shared>>) dst(%dma_wait3A_34 : memref<400000xf32, #tpu.memory_space<hbm>>)
    %add3A_35 = arith.constant 2400000 : i32
    %add3A_36 = arith.addi %mul3A_0, %add3A_35 : i32
    %dma_start3A_37 = tpu.memref_slice %arg1[%add3A_36] : memref<12800000xf32, #tpu.memory_space<hbm>> -> memref<400000xf32, #tpu.memory_space<hbm>>
    tpu.enqueue_dma source(%dma_start3A_37 : memref<400000xf32, #tpu.memory_space<hbm>>) target(%arg5 : memref<400000xf32, #tpu.memory_space<vmem_shared>>) target_semaphore(%arg9 : memref<!tpu.dma_semaphore, #tpu.memory_space<semaphore_mem>>)
    %dma_wait3A_38 = tpu.memref_slice %arg1[%add3A_20] : memref<12800000xf32, #tpu.memory_space<hbm>> -> memref<400000xf32, #tpu.memory_space<hbm>>
    tpu.wait_dma2 semaphore(%arg7 : memref<!tpu.dma_semaphore, #tpu.memory_space<semaphore_mem>>) src(%dma_wait3A_38 : memref<400000xf32, #tpu.memory_space<hbm>>) dst(%arg3 : memref<400000xf32, #tpu.memory_space<vmem_shared>>)
    %add3A_39 = arith.constant 1600000 : i32
    %add3A_40 = arith.addi %mul3A_0, %add3A_39 : i32
    %dma_start3A_41 = tpu.memref_slice %arg2[%add3A_40] : memref<12800000xf32, #tpu.memory_space<hbm>> -> memref<400000xf32, #tpu.memory_space<hbm>>
    tpu.enqueue_dma source(%arg3 : memref<400000xf32, #tpu.memory_space<vmem_shared>>) target(%dma_start3A_41 : memref<400000xf32, #tpu.memory_space<hbm>>) target_semaphore(%arg11 : memref<!tpu.dma_semaphore, #tpu.memory_space<semaphore_mem>>)
    %dma_wait3A_42 = tpu.memref_slice %arg2[%add3A_32] : memref<12800000xf32, #tpu.memory_space<hbm>> -> memref<400000xf32, #tpu.memory_space<hbm>>
    tpu.wait_dma2 semaphore(%arg14 : memref<!tpu.dma_semaphore, #tpu.memory_space<semaphore_mem>>) src(%arg6 : memref<400000xf32, #tpu.memory_space<vmem_shared>>) dst(%dma_wait3A_42 : memref<400000xf32, #tpu.memory_space<hbm>>)
    %add3A_43 = arith.constant 2800000 : i32
    %add3A_44 = arith.addi %mul3A_0, %add3A_43 : i32
    %dma_start3A_45 = tpu.memref_slice %arg1[%add3A_44] : memref<12800000xf32, #tpu.memory_space<hbm>> -> memref<400000xf32, #tpu.memory_space<hbm>>
    tpu.enqueue_dma source(%dma_start3A_45 : memref<400000xf32, #tpu.memory_space<hbm>>) target(%arg6 : memref<400000xf32, #tpu.memory_space<vmem_shared>>) target_semaphore(%arg10 : memref<!tpu.dma_semaphore, #tpu.memory_space<semaphore_mem>>)
    %dma_wait3A_46 = tpu.memref_slice %arg1[%add3A_28] : memref<12800000xf32, #tpu.memory_space<hbm>> -> memref<400000xf32, #tpu.memory_space<hbm>>
    tpu.wait_dma2 semaphore(%arg8 : memref<!tpu.dma_semaphore, #tpu.memory_space<semaphore_mem>>) src(%dma_wait3A_46 : memref<400000xf32, #tpu.memory_space<hbm>>) dst(%arg4 : memref<400000xf32, #tpu.memory_space<vmem_shared>>)
    %add3A_47 = arith.constant 2000000 : i32
    %add3A_48 = arith.addi %mul3A_0, %add3A_47 : i32
    %dma_start3A_49 = tpu.memref_slice %arg2[%add3A_48] : memref<12800000xf32, #tpu.memory_space<hbm>> -> memref<400000xf32, #tpu.memory_space<hbm>>
    tpu.enqueue_dma source(%arg4 : memref<400000xf32, #tpu.memory_space<vmem_shared>>) target(%dma_start3A_49 : memref<400000xf32, #tpu.memory_space<hbm>>) target_semaphore(%arg12 : memref<!tpu.dma_semaphore, #tpu.memory_space<semaphore_mem>>)
    %dma_wait3A_50 = tpu.memref_slice %arg2[%add3A_40] : memref<12800000xf32, #tpu.memory_space<hbm>> -> memref<400000xf32, #tpu.memory_space<hbm>>
    tpu.wait_dma2 semaphore(%arg11 : memref<!tpu.dma_semaphore, #tpu.memory_space<semaphore_mem>>) src(%arg3 : memref<400000xf32, #tpu.memory_space<vmem_shared>>) dst(%dma_wait3A_50 : memref<400000xf32, #tpu.memory_space<hbm>>)
    %add3A_51 = arith.constant 3200000 : i32
    %add3A_52 = arith.addi %mul3A_0, %add3A_51 : i32
    %dma_start3A_53 = tpu.memref_slice %arg1[%add3A_52] : memref<12800000xf32, #tpu.memory_space<hbm>> -> memref<400000xf32, #tpu.memory_space<hbm>>
    tpu.enqueue_dma source(%dma_start3A_53 : memref<400000xf32, #tpu.memory_space<hbm>>) target(%arg3 : memref<400000xf32, #tpu.memory_space<vmem_shared>>) target_semaphore(%arg7 : memref<!tpu.dma_semaphore, #tpu.memory_space<semaphore_mem>>)
    %dma_wait3A_54 = tpu.memref_slice %arg1[%add3A_36] : memref<12800000xf32, #tpu.memory_space<hbm>> -> memref<400000xf32, #tpu.memory_space<hbm>>
    tpu.wait_dma2 semaphore(%arg9 : memref<!tpu.dma_semaphore, #tpu.memory_space<semaphore_mem>>) src(%dma_wait3A_54 : memref<400000xf32, #tpu.memory_space<hbm>>) dst(%arg5 : memref<400000xf32, #tpu.memory_space<vmem_shared>>)
    %add3A_55 = arith.constant 2400000 : i32
    %add3A_56 = arith.addi %mul3A_0, %add3A_55 : i32
    %dma_start3A_57 = tpu.memref_slice %arg2[%add3A_56] : memref<12800000xf32, #tpu.memory_space<hbm>> -> memref<400000xf32, #tpu.memory_space<hbm>>
    tpu.enqueue_dma source(%arg5 : memref<400000xf32, #tpu.memory_space<vmem_shared>>) target(%dma_start3A_57 : memref<400000xf32, #tpu.memory_space<hbm>>) target_semaphore(%arg13 : memref<!tpu.dma_semaphore, #tpu.memory_space<semaphore_mem>>)
    %dma_wait3A_58 = tpu.memref_slice %arg2[%add3A_48] : memref<12800000xf32, #tpu.memory_space<hbm>> -> memref<400000xf32, #tpu.memory_space<hbm>>
    tpu.wait_dma2 semaphore(%arg12 : memref<!tpu.dma_semaphore, #tpu.memory_space<semaphore_mem>>) src(%arg4 : memref<400000xf32, #tpu.memory_space<vmem_shared>>) dst(%dma_wait3A_58 : memref<400000xf32, #tpu.memory_space<hbm>>)
    %add3A_59 = arith.constant 3600000 : i32
    %add3A_60 = arith.addi %mul3A_0, %add3A_59 : i32
    %dma_start3A_61 = tpu.memref_slice %arg1[%add3A_60] : memref<12800000xf32, #tpu.memory_space<hbm>> -> memref<400000xf32, #tpu.memory_space<hbm>>
    tpu.enqueue_dma source(%dma_start3A_61 : memref<400000xf32, #tpu.memory_space<hbm>>) target(%arg4 : memref<400000xf32, #tpu.memory_space<vmem_shared>>) target_semaphore(%arg8 : memref<!tpu.dma_semaphore, #tpu.memory_space<semaphore_mem>>)
    %dma_wait3A_62 = tpu.memref_slice %arg1[%add3A_44] : memref<12800000xf32, #tpu.memory_space<hbm>> -> memref<400000xf32, #tpu.memory_space<hbm>>
    tpu.wait_dma2 semaphore(%arg10 : memref<!tpu.dma_semaphore, #tpu.memory_space<semaphore_mem>>) src(%dma_wait3A_62 : memref<400000xf32, #tpu.memory_space<hbm>>) dst(%arg6 : memref<400000xf32, #tpu.memory_space<vmem_shared>>)
    %add3A_63 = arith.constant 2800000 : i32
    %add3A_64 = arith.addi %mul3A_0, %add3A_63 : i32
    %dma_start3A_65 = tpu.memref_slice %arg2[%add3A_64] : memref<12800000xf32, #tpu.memory_space<hbm>> -> memref<400000xf32, #tpu.memory_space<hbm>>
    tpu.enqueue_dma source(%arg6 : memref<400000xf32, #tpu.memory_space<vmem_shared>>) target(%dma_start3A_65 : memref<400000xf32, #tpu.memory_space<hbm>>) target_semaphore(%arg14 : memref<!tpu.dma_semaphore, #tpu.memory_space<semaphore_mem>>)
    %dma_wait3A_66 = tpu.memref_slice %arg2[%add3A_56] : memref<12800000xf32, #tpu.memory_space<hbm>> -> memref<400000xf32, #tpu.memory_space<hbm>>
    tpu.wait_dma2 semaphore(%arg13 : memref<!tpu.dma_semaphore, #tpu.memory_space<semaphore_mem>>) src(%arg5 : memref<400000xf32, #tpu.memory_space<vmem_shared>>) dst(%dma_wait3A_66 : memref<400000xf32, #tpu.memory_space<hbm>>)
    %add3A_67 = arith.constant 4000000 : i32
    %add3A_68 = arith.addi %mul3A_0, %add3A_67 : i32
    %dma_start3A_69 = tpu.memref_slice %arg1[%add3A_68] : memref<12800000xf32, #tpu.memory_space<hbm>> -> memref<400000xf32, #tpu.memory_space<hbm>>
    tpu.enqueue_dma source(%dma_start3A_69 : memref<400000xf32, #tpu.memory_space<hbm>>) target(%arg5 : memref<400000xf32, #tpu.memory_space<vmem_shared>>) target_semaphore(%arg9 : memref<!tpu.dma_semaphore, #tpu.memory_space<semaphore_mem>>)
    %dma_wait3A_70 = tpu.memref_slice %arg1[%add3A_52] : memref<12800000xf32, #tpu.memory_space<hbm>> -> memref<400000xf32, #tpu.memory_space<hbm>>
    tpu.wait_dma2 semaphore(%arg7 : memref<!tpu.dma_semaphore, #tpu.memory_space<semaphore_mem>>) src(%dma_wait3A_70 : memref<400000xf32, #tpu.memory_space<hbm>>) dst(%arg3 : memref<400000xf32, #tpu.memory_space<vmem_shared>>)
    %add3A_71 = arith.constant 3200000 : i32
    %add3A_72 = arith.addi %mul3A_0, %add3A_71 : i32
    %dma_start3A_73 = tpu.memref_slice %arg2[%add3A_72] : memref<12800000xf32, #tpu.memory_space<hbm>> -> memref<400000xf32, #tpu.memory_space<hbm>>
    tpu.enqueue_dma source(%arg3 : memref<400000xf32, #tpu.memory_space<vmem_shared>>) target(%dma_start3A_73 : memref<400000xf32, #tpu.memory_space<hbm>>) target_semaphore(%arg11 : memref<!tpu.dma_semaphore, #tpu.memory_space<semaphore_mem>>)
    %dma_wait3A_74 = tpu.memref_slice %arg2[%add3A_64] : memref<12800000xf32, #tpu.memory_space<hbm>> -> memref<400000xf32, #tpu.memory_space<hbm>>
    tpu.wait_dma2 semaphore(%arg14 : memref<!tpu.dma_semaphore, #tpu.memory_space<semaphore_mem>>) src(%arg6 : memref<400000xf32, #tpu.memory_space<vmem_shared>>) dst(%dma_wait3A_74 : memref<400000xf32, #tpu.memory_space<hbm>>)
    %add3A_75 = arith.constant 4400000 : i32
    %add3A_76 = arith.addi %mul3A_0, %add3A_75 : i32
    %dma_start3A_77 = tpu.memref_slice %arg1[%add3A_76] : memref<12800000xf32, #tpu.memory_space<hbm>> -> memref<400000xf32, #tpu.memory_space<hbm>>
    tpu.enqueue_dma source(%dma_start3A_77 : memref<400000xf32, #tpu.memory_space<hbm>>) target(%arg6 : memref<400000xf32, #tpu.memory_space<vmem_shared>>) target_semaphore(%arg10 : memref<!tpu.dma_semaphore, #tpu.memory_space<semaphore_mem>>)
    %dma_wait3A_78 = tpu.memref_slice %arg1[%add3A_60] : memref<12800000xf32, #tpu.memory_space<hbm>> -> memref<400000xf32, #tpu.memory_space<hbm>>
    tpu.wait_dma2 semaphore(%arg8 : memref<!tpu.dma_semaphore, #tpu.memory_space<semaphore_mem>>) src(%dma_wait3A_78 : memref<400000xf32, #tpu.memory_space<hbm>>) dst(%arg4 : memref<400000xf32, #tpu.memory_space<vmem_shared>>)
    %add3A_79 = arith.constant 3600000 : i32
    %add3A_80 = arith.addi %mul3A_0, %add3A_79 : i32
    %dma_start3A_81 = tpu.memref_slice %arg2[%add3A_80] : memref<12800000xf32, #tpu.memory_space<hbm>> -> memref<400000xf32, #tpu.memory_space<hbm>>
    tpu.enqueue_dma source(%arg4 : memref<400000xf32, #tpu.memory_space<vmem_shared>>) target(%dma_start3A_81 : memref<400000xf32, #tpu.memory_space<hbm>>) target_semaphore(%arg12 : memref<!tpu.dma_semaphore, #tpu.memory_space<semaphore_mem>>)
    %dma_wait3A_82 = tpu.memref_slice %arg2[%add3A_72] : memref<12800000xf32, #tpu.memory_space<hbm>> -> memref<400000xf32, #tpu.memory_space<hbm>>
    tpu.wait_dma2 semaphore(%arg11 : memref<!tpu.dma_semaphore, #tpu.memory_space<semaphore_mem>>) src(%arg3 : memref<400000xf32, #tpu.memory_space<vmem_shared>>) dst(%dma_wait3A_82 : memref<400000xf32, #tpu.memory_space<hbm>>)
    %add3A_83 = arith.constant 4800000 : i32
    %add3A_84 = arith.addi %mul3A_0, %add3A_83 : i32
    %dma_start3A_85 = tpu.memref_slice %arg1[%add3A_84] : memref<12800000xf32, #tpu.memory_space<hbm>> -> memref<400000xf32, #tpu.memory_space<hbm>>
    tpu.enqueue_dma source(%dma_start3A_85 : memref<400000xf32, #tpu.memory_space<hbm>>) target(%arg3 : memref<400000xf32, #tpu.memory_space<vmem_shared>>) target_semaphore(%arg7 : memref<!tpu.dma_semaphore, #tpu.memory_space<semaphore_mem>>)
    %dma_wait3A_86 = tpu.memref_slice %arg1[%add3A_68] : memref<12800000xf32, #tpu.memory_space<hbm>> -> memref<400000xf32, #tpu.memory_space<hbm>>
    tpu.wait_dma2 semaphore(%arg9 : memref<!tpu.dma_semaphore, #tpu.memory_space<semaphore_mem>>) src(%dma_wait3A_86 : memref<400000xf32, #tpu.memory_space<hbm>>) dst(%arg5 : memref<400000xf32, #tpu.memory_space<vmem_shared>>)
    %add3A_87 = arith.constant 4000000 : i32
    %add3A_88 = arith.addi %mul3A_0, %add3A_87 : i32
    %dma_start3A_89 = tpu.memref_slice %arg2[%add3A_88] : memref<12800000xf32, #tpu.memory_space<hbm>> -> memref<400000xf32, #tpu.memory_space<hbm>>
    tpu.enqueue_dma source(%arg5 : memref<400000xf32, #tpu.memory_space<vmem_shared>>) target(%dma_start3A_89 : memref<400000xf32, #tpu.memory_space<hbm>>) target_semaphore(%arg13 : memref<!tpu.dma_semaphore, #tpu.memory_space<semaphore_mem>>)
    %dma_wait3A_90 = tpu.memref_slice %arg2[%add3A_80] : memref<12800000xf32, #tpu.memory_space<hbm>> -> memref<400000xf32, #tpu.memory_space<hbm>>
    tpu.wait_dma2 semaphore(%arg12 : memref<!tpu.dma_semaphore, #tpu.memory_space<semaphore_mem>>) src(%arg4 : memref<400000xf32, #tpu.memory_space<vmem_shared>>) dst(%dma_wait3A_90 : memref<400000xf32, #tpu.memory_space<hbm>>)
    %add3A_91 = arith.constant 5200000 : i32
    %add3A_92 = arith.addi %mul3A_0, %add3A_91 : i32
    %dma_start3A_93 = tpu.memref_slice %arg1[%add3A_92] : memref<12800000xf32, #tpu.memory_space<hbm>> -> memref<400000xf32, #tpu.memory_space<hbm>>
    tpu.enqueue_dma source(%dma_start3A_93 : memref<400000xf32, #tpu.memory_space<hbm>>) target(%arg4 : memref<400000xf32, #tpu.memory_space<vmem_shared>>) target_semaphore(%arg8 : memref<!tpu.dma_semaphore, #tpu.memory_space<semaphore_mem>>)
    %dma_wait3A_94 = tpu.memref_slice %arg1[%add3A_76] : memref<12800000xf32, #tpu.memory_space<hbm>> -> memref<400000xf32, #tpu.memory_space<hbm>>
    tpu.wait_dma2 semaphore(%arg10 : memref<!tpu.dma_semaphore, #tpu.memory_space<semaphore_mem>>) src(%dma_wait3A_94 : memref<400000xf32, #tpu.memory_space<hbm>>) dst(%arg6 : memref<400000xf32, #tpu.memory_space<vmem_shared>>)
    %add3A_95 = arith.constant 4400000 : i32
    %add3A_96 = arith.addi %mul3A_0, %add3A_95 : i32
    %dma_start3A_97 = tpu.memref_slice %arg2[%add3A_96] : memref<12800000xf32, #tpu.memory_space<hbm>> -> memref<400000xf32, #tpu.memory_space<hbm>>
    tpu.enqueue_dma source(%arg6 : memref<400000xf32, #tpu.memory_space<vmem_shared>>) target(%dma_start3A_97 : memref<400000xf32, #tpu.memory_space<hbm>>) target_semaphore(%arg14 : memref<!tpu.dma_semaphore, #tpu.memory_space<semaphore_mem>>)
    %dma_wait3A_98 = tpu.memref_slice %arg2[%add3A_88] : memref<12800000xf32, #tpu.memory_space<hbm>> -> memref<400000xf32, #tpu.memory_space<hbm>>
    tpu.wait_dma2 semaphore(%arg13 : memref<!tpu.dma_semaphore, #tpu.memory_space<semaphore_mem>>) src(%arg5 : memref<400000xf32, #tpu.memory_space<vmem_shared>>) dst(%dma_wait3A_98 : memref<400000xf32, #tpu.memory_space<hbm>>)
    %add3A_99 = arith.constant 5600000 : i32
    %add3A_100 = arith.addi %mul3A_0, %add3A_99 : i32
    %dma_start3A_101 = tpu.memref_slice %arg1[%add3A_100] : memref<12800000xf32, #tpu.memory_space<hbm>> -> memref<400000xf32, #tpu.memory_space<hbm>>
    tpu.enqueue_dma source(%dma_start3A_101 : memref<400000xf32, #tpu.memory_space<hbm>>) target(%arg5 : memref<400000xf32, #tpu.memory_space<vmem_shared>>) target_semaphore(%arg9 : memref<!tpu.dma_semaphore, #tpu.memory_space<semaphore_mem>>)
    %dma_wait3A_102 = tpu.memref_slice %arg1[%add3A_84] : memref<12800000xf32, #tpu.memory_space<hbm>> -> memref<400000xf32, #tpu.memory_space<hbm>>
    tpu.wait_dma2 semaphore(%arg7 : memref<!tpu.dma_semaphore, #tpu.memory_space<semaphore_mem>>) src(%dma_wait3A_102 : memref<400000xf32, #tpu.memory_space<hbm>>) dst(%arg3 : memref<400000xf32, #tpu.memory_space<vmem_shared>>)
    %add3A_103 = arith.constant 4800000 : i32
    %add3A_104 = arith.addi %mul3A_0, %add3A_103 : i32
    %dma_start3A_105 = tpu.memref_slice %arg2[%add3A_104] : memref<12800000xf32, #tpu.memory_space<hbm>> -> memref<400000xf32, #tpu.memory_space<hbm>>
    tpu.enqueue_dma source(%arg3 : memref<400000xf32, #tpu.memory_space<vmem_shared>>) target(%dma_start3A_105 : memref<400000xf32, #tpu.memory_space<hbm>>) target_semaphore(%arg11 : memref<!tpu.dma_semaphore, #tpu.memory_space<semaphore_mem>>)
    %dma_wait3A_106 = tpu.memref_slice %arg2[%add3A_96] : memref<12800000xf32, #tpu.memory_space<hbm>> -> memref<400000xf32, #tpu.memory_space<hbm>>
    tpu.wait_dma2 semaphore(%arg14 : memref<!tpu.dma_semaphore, #tpu.memory_space<semaphore_mem>>) src(%arg6 : memref<400000xf32, #tpu.memory_space<vmem_shared>>) dst(%dma_wait3A_106 : memref<400000xf32, #tpu.memory_space<hbm>>)
    %add3A_107 = arith.constant 6000000 : i32
    %add3A_108 = arith.addi %mul3A_0, %add3A_107 : i32
    %dma_start3A_109 = tpu.memref_slice %arg1[%add3A_108] : memref<12800000xf32, #tpu.memory_space<hbm>> -> memref<400000xf32, #tpu.memory_space<hbm>>
    tpu.enqueue_dma source(%dma_start3A_109 : memref<400000xf32, #tpu.memory_space<hbm>>) target(%arg6 : memref<400000xf32, #tpu.memory_space<vmem_shared>>) target_semaphore(%arg10 : memref<!tpu.dma_semaphore, #tpu.memory_space<semaphore_mem>>)
    %dma_wait3A_110 = tpu.memref_slice %arg1[%add3A_92] : memref<12800000xf32, #tpu.memory_space<hbm>> -> memref<400000xf32, #tpu.memory_space<hbm>>
    tpu.wait_dma2 semaphore(%arg8 : memref<!tpu.dma_semaphore, #tpu.memory_space<semaphore_mem>>) src(%dma_wait3A_110 : memref<400000xf32, #tpu.memory_space<hbm>>) dst(%arg4 : memref<400000xf32, #tpu.memory_space<vmem_shared>>)
    %add3A_111 = arith.constant 5200000 : i32
    %add3A_112 = arith.addi %mul3A_0, %add3A_111 : i32
    %dma_start3A_113 = tpu.memref_slice %arg2[%add3A_112] : memref<12800000xf32, #tpu.memory_space<hbm>> -> memref<400000xf32, #tpu.memory_space<hbm>>
    tpu.enqueue_dma source(%arg4 : memref<400000xf32, #tpu.memory_space<vmem_shared>>) target(%dma_start3A_113 : memref<400000xf32, #tpu.memory_space<hbm>>) target_semaphore(%arg12 : memref<!tpu.dma_semaphore, #tpu.memory_space<semaphore_mem>>)
    %dma_wait3A_114 = tpu.memref_slice %arg1[%add3A_100] : memref<12800000xf32, #tpu.memory_space<hbm>> -> memref<400000xf32, #tpu.memory_space<hbm>>
    tpu.wait_dma2 semaphore(%arg9 : memref<!tpu.dma_semaphore, #tpu.memory_space<semaphore_mem>>) src(%dma_wait3A_114 : memref<400000xf32, #tpu.memory_space<hbm>>) dst(%arg5 : memref<400000xf32, #tpu.memory_space<vmem_shared>>)
    %add3A_115 = arith.constant 5600000 : i32
    %add3A_116 = arith.addi %mul3A_0, %add3A_115 : i32
    %dma_start3A_117 = tpu.memref_slice %arg2[%add3A_116] : memref<12800000xf32, #tpu.memory_space<hbm>> -> memref<400000xf32, #tpu.memory_space<hbm>>
    tpu.enqueue_dma source(%arg5 : memref<400000xf32, #tpu.memory_space<vmem_shared>>) target(%dma_start3A_117 : memref<400000xf32, #tpu.memory_space<hbm>>) target_semaphore(%arg13 : memref<!tpu.dma_semaphore, #tpu.memory_space<semaphore_mem>>)
    %dma_wait3A_118 = tpu.memref_slice %arg1[%add3A_108] : memref<12800000xf32, #tpu.memory_space<hbm>> -> memref<400000xf32, #tpu.memory_space<hbm>>
    tpu.wait_dma2 semaphore(%arg10 : memref<!tpu.dma_semaphore, #tpu.memory_space<semaphore_mem>>) src(%dma_wait3A_118 : memref<400000xf32, #tpu.memory_space<hbm>>) dst(%arg6 : memref<400000xf32, #tpu.memory_space<vmem_shared>>)
    %add3A_119 = arith.constant 6000000 : i32
    %add3A_120 = arith.addi %mul3A_0, %add3A_119 : i32
    %dma_start3A_121 = tpu.memref_slice %arg2[%add3A_120] : memref<12800000xf32, #tpu.memory_space<hbm>> -> memref<400000xf32, #tpu.memory_space<hbm>>
    tpu.enqueue_dma source(%arg6 : memref<400000xf32, #tpu.memory_space<vmem_shared>>) target(%dma_start3A_121 : memref<400000xf32, #tpu.memory_space<hbm>>) target_semaphore(%arg14 : memref<!tpu.dma_semaphore, #tpu.memory_space<semaphore_mem>>)
    %dma_wait3A_122 = tpu.memref_slice %arg2[%add3A_104] : memref<12800000xf32, #tpu.memory_space<hbm>> -> memref<400000xf32, #tpu.memory_space<hbm>>
    tpu.wait_dma2 semaphore(%arg11 : memref<!tpu.dma_semaphore, #tpu.memory_space<semaphore_mem>>) src(%arg3 : memref<400000xf32, #tpu.memory_space<vmem_shared>>) dst(%dma_wait3A_122 : memref<400000xf32, #tpu.memory_space<hbm>>)
    %dma_wait3A_123 = tpu.memref_slice %arg2[%add3A_112] : memref<12800000xf32, #tpu.memory_space<hbm>> -> memref<400000xf32, #tpu.memory_space<hbm>>
    tpu.wait_dma2 semaphore(%arg12 : memref<!tpu.dma_semaphore, #tpu.memory_space<semaphore_mem>>) src(%arg4 : memref<400000xf32, #tpu.memory_space<vmem_shared>>) dst(%dma_wait3A_123 : memref<400000xf32, #tpu.memory_space<hbm>>)
    %dma_wait3A_124 = tpu.memref_slice %arg2[%add3A_116] : memref<12800000xf32, #tpu.memory_space<hbm>> -> memref<400000xf32, #tpu.memory_space<hbm>>
    tpu.wait_dma2 semaphore(%arg13 : memref<!tpu.dma_semaphore, #tpu.memory_space<semaphore_mem>>) src(%arg5 : memref<400000xf32, #tpu.memory_space<vmem_shared>>) dst(%dma_wait3A_124 : memref<400000xf32, #tpu.memory_space<hbm>>)
    %dma_wait3A_125 = tpu.memref_slice %arg2[%add3A_120] : memref<12800000xf32, #tpu.memory_space<hbm>> -> memref<400000xf32, #tpu.memory_space<hbm>>
    tpu.wait_dma2 semaphore(%arg14 : memref<!tpu.dma_semaphore, #tpu.memory_space<semaphore_mem>>) src(%arg6 : memref<400000xf32, #tpu.memory_space<vmem_shared>>) dst(%dma_wait3A_125 : memref<400000xf32, #tpu.memory_space<hbm>>)
    return
  }
}

</mosaic_0001>

<sc_bundles>
// kernel: kernel.3.cloned.1.call-start
scs
__scs_entry_jumppad:
0x0: {  	(pc) =	sbr.rel $0x88, $3  }
0x1: {  	(tag) =	ssettag $0x0;
	lr =	simm.s32 $0x1  }
0x2: {  	[smem:$0x3FA0] =	sst lr;
	_ =	strace $0xD0000000  }
0x3: {  	_ = 	snop  }
0x4: {  	_ = 	snop  }
0x5: {  	_ = 	snop  }
0x6: {  	_ = 	snop  }
0x7: {  	_ = 	snop  }
__scs_overlays_trampoline_lowered:
0x8: {  	[smem:$0x3FAF] =	sst s0  }
0x9: {  	[smem:$0x3FB0] =	sst s1  }
0xa: {  	[smem:$0x3FB1] =	sst s2  }
0xb: {  	[smem:$0x3FB2] =	sst s3  }
0xc: {  	[smem:$0x3FB3] =	sst s4  }
0xd: {  	[smem:$0x3FB4] =	sst s5  }
0xe: {  	[smem:$0x3FB5] =	sst s6  }
0xf: {  	[smem:$0x3FB6] =	sst s7  }
0x10: {  	[smem:$0x3FB7] =	sst s8  }
0x11: {  	[smem:$0x3FB8] =	sst s9;
	s0 =	simm.s32 @!p0 $0x0  }
0x12: {  	s1 =	sld [smem:$0x3F9E];
	s0 =	simm.s32 @p0 $0x1  }
0x13: {  	[smem:$0x3FB9] =	sst s0;
	s0 =	simm.s32 @!p1 $0x0  }
0x14: {  	s2 =	sld [smem:$0x3F9D];
	s0 =	simm.s32 @p1 $0x1  }
0x15: {  	[smem:$0x3FBA] =	sst s0;
	s0 =	simm.s32 @!p2 $0x0  }
0x16: {  	s3 =	sld [smem:$0x3FDB];
	s0 =	simm.s32 @p2 $0x1  }
0x17: {  	s4 =	simm.s32 $0x1BF5;
	[smem:$0x3FBC] =	sst s0  }
0x18: {  	s0 =	sld [smem:$0x3F9F];
	_ =	swait.ge [sflag:s4], $0x0  }
0x19: {  	s7 =	sld [smem:$0x3FA0]  }
0x1a: {  	s8 =	sadd.s32 $0xFFFFE003, lr  }
0x1b: {  	s9 =	sadd.s32 $0xFFFFFEF7, lr;
	s5 =	simm.s32 $0xFFFFFFFF;
	p2 =	slt.u32 s8, $0xFFFFF086  }
0x1c: {  	p1 =	slt.u32 s9, $0xF7A;
	s5 =	simm.s32 @!p2 $0x0  }
0x1d: {  	s5 =	simm.s32 @p1 $0x1;
	p0 =	seq.s32 s7, s2  }
0x1e: {  	s7 =	smul.u32 @!p0 $0xF7A, s2;
	p2 =	seq.s32 @!p0 s5, $0x0  }
0x1f: {  	s9 =	smul.u32 $0xF7A, s1;
	s8 =	simm.s32 @!p0 $0x1BF5;
	p2 =	por !p2, p0  }
0x20: {  	[sflag:s8] =	ssyncset.s32 @!p0 $0xFFFFF086;
	s6 =	sadd.s32 @!p0 s3, s7;
	s7 =	simm.s32 @!p0 $0x108  }
0x21: {  	s3 =	sadd.s32 s3, s9;
	s6 =	sadd.s32 @!p0 $0x88, s6;
	s7 =	simm.s32 @p2 $0x1082  }
0x22: {  	[simem:s7], [sflag:s8] =	dma.local @!p0 [hbm:s6], $0xF7A  }
0x23: {  	s9 =	sor.u32 $0xD0000000, s2;
	s6 =	simm.s32 $0x108;
	_ =	swait.ge @!p0 [sflag:s8], $0x0  }
0x24: {  	s3 =	sadd.s32 $0x88, s3;
	s6 =	simm.s32 @!p1 $0x1082;
	[sflag:s4] =	ssyncset.s32 $0xFFFFF086  }
0x25: {  	[simem:s6], [sflag:s4] =	dma.local [hbm:s3], $0xF7A  }
0x26: {  	[smem:$0x3FA0] =	sst s1;
	(tag) =	ssettag s2;
	_ =	strace s9  }
0x27: {  	s1 =	sld [smem:$0x3FB0]  }
0x28: {  	s2 =	sld [smem:$0x3FB1]  }
0x29: {  	s4 =	sld [smem:$0x3FB3]  }
0x2a: {  	p0 =	seq.s32 s5, $0x0;
	s5 =	sld [smem:$0x3FB4]  }
0x2b: {  	s6 =	sld [smem:$0x3FB5]  }
0x2c: {  	s7 =	sld [smem:$0x3FB6]  }
0x2d: {  	s3 =	simm.s32 $0x108;
	s8 =	sld [smem:$0x3FB7]  }
0x2e: {  	s3 =	simm.s32 @!p0 $0x1082;
	s9 =	sld [smem:$0x3FB8]  }
0x2f: {  	lr =	sadd.s32 s0, s3;
	s0 =	sld [smem:$0x3FAF]  }
0x30: {  	s3 =	sld [smem:$0x3FB2]  }
0x31: {  	[smem:$0x3FBB] =	sst s10  }
0x32: {  	s10 =	sld [smem:$0x3FB9];
	_ =	sdelay $0x3  }
0x33: {  	p0 =	seq.s32 s10, $0x1;
	s10 =	sld [smem:$0x3FBB];
	_ =	sdelay $0x3  }
0x34: {  	[smem:$0x3FBB] =	sst s10  }
0x35: {  	s10 =	sld [smem:$0x3FBA];
	_ =	sdelay $0x3  }
0x36: {  	p1 =	seq.s32 s10, $0x1;
	s10 =	sld [smem:$0x3FBB];
	_ =	sdelay $0x3  }
0x37: {  	[smem:$0x3FBB] =	sst s10  }
0x38: {  	s10 =	sld [smem:$0x3FBC]  }
0x39: {  	_ = 	snop;
	(pc) =	sbr.ind lr, $3  }
0x3a: {  	_ = 	snop  }
0x3b: {  	_ = 	snop  }
0x3c: {  	p2 =	seq.s32 s10, $0x1;
	s10 =	sld [smem:$0x3FBB]  }
0x3d: {  	_ =	shalt  }
0x3e: {  	_ =	shalt  }
0x3f: {  	_ =	shalt  }
0x40: {  	_ =	shalt  }
0x41: {  	_ =	shalt  }
0x42: {  	_ =	shalt  }
0x43: {  	_ =	shalt  }
0x44: {  	_ =	shalt  }
0x45: {  	_ =	shalt  }
0x46: {  	_ =	shalt  }
0x47: {  	_ =	shalt  }
0x48: {  	_ =	shalt  }
0x49: {  	_ =	shalt  }
0x4a: {  	_ =	shalt  }
0x4b: {  	_ =	shalt  }
0x4c: {  	_ =	shalt  }
0x4d: {  	_ =	shalt  }
0x4e: {  	_ =	shalt  }
0x4f: {  	_ =	shalt  }
0x50: {  	_ =	shalt  }
0x51: {  	_ =	shalt  }
0x52: {  	_ =	shalt  }
0x53: {  	_ =	shalt  }
0x54: {  	_ =	shalt  }
0x55: {  	_ =	shalt  }
0x56: {  	_ =	shalt  }
0x57: {  	_ =	shalt  }
0x58: {  	_ =	shalt  }
0x59: {  	_ =	shalt  }
0x5a: {  	_ =	shalt  }
0x5b: {  	_ =	shalt  }
0x5c: {  	_ =	shalt  }
0x5d: {  	_ =	shalt  }
0x5e: {  	_ =	shalt  }
0x5f: {  	_ =	shalt  }
0x60: {  	_ =	shalt  }
0x61: {  	_ =	shalt  }
0x62: {  	_ =	shalt  }
0x63: {  	_ =	shalt  }
0x64: {  	_ =	shalt  }
0x65: {  	_ =	shalt  }
0x66: {  	_ =	shalt  }
0x67: {  	_ =	shalt  }
0x68: {  	_ =	shalt  }
0x69: {  	_ =	shalt  }
0x6a: {  	_ =	shalt  }
0x6b: {  	_ =	shalt  }
0x6c: {  	_ =	shalt  }
0x6d: {  	_ =	shalt  }
0x6e: {  	_ =	shalt  }
0x6f: {  	_ =	shalt  }
0x70: {  	_ =	shalt  }
0x71: {  	_ =	shalt  }
0x72: {  	_ =	shalt  }
0x73: {  	_ =	shalt  }
0x74: {  	_ =	shalt  }
0x75: {  	_ =	shalt  }
0x76: {  	_ =	shalt  }
0x77: {  	_ =	shalt  }
0x78: {  	_ =	shalt  }
0x79: {  	_ =	shalt  }
0x7a: {  	_ =	shalt  }
0x7b: {  	_ =	shalt  }
0x7c: {  	_ =	shalt  }
0x7d: {  	_ =	shalt  }
0x7e: {  	_ =	shalt  }
0x7f: {  	_ =	shalt  }
0x80: {  	_ =	shalt  }
0x81: {  	_ =	shalt  }
0x82: {  	_ =	shalt  }
0x83: {  	_ =	shalt  }
0x84: {  	_ =	shalt  }
0x85: {  	_ =	shalt  }
0x86: {  	_ =	shalt  }
0x87: {  	_ =	shalt  }
.Lfunc_end0:
.L_simem_size_0:
called_computation_lowered:
.L_overlay_start_0:
0x88: {  	s2 =	sld [smem:$0x3FD9]  }
0x89: {  	s3 =	sld [smem:$0x3FFE];
	_ =	sdelay $0x1  }
0x8a: {  	s1 =	srdreg.scid  }
0x8b: {  	s0 =	sand.u32 $0x1, s1  }
0x8c: {  	s17 =	sshll.u32 s0, $0xA;
	s2 =	sadd.s32 s3, s2  }
0x8d: {  	s2 =	sadd.s32 s2, s17  }
0x8e: {  	s4 =	simm.s32 $0x0;
	[smem:$0x3FC7] =	sst s2  }
0x8f: {  	[smem:$0xF] =	sst s4  }
0x90: {  	s3 =	sld [smem:$0x3FC9]  }
0x91: {  	s2 =	sld [smem:$0x3FD0];
	(tm) =	ssettm $0x1  }
0x92: {  	s5 =	sld [smem:$0x3FFB];
	_ =	sdelay $0x3  }
0x93: {  	_ =	strace s5  }
0x94: {  	s5 =	sld [smem:$0x3FFC];
	_ =	sdelay $0x3  }
0x95: {  	_ =	strace s5  }
0x96: {  	s5 =	sld [smem:$0x3FFD];
	_ =	sdelay $0x3  }
0x97: {  	_ =	strace s5  }
0x98: {  	s18 =	simm.s32 $0x1B8B;
	s19 =	simm.s32 $0x1B8E;
	_ =	strace $0x8FFFFFFF  }
0x99: {  	s13 =	simm.s32 $0x9;
	s6 =	smul.u32 $0x61A800, s0;
	_ =	swait.ge [sflag:s18], $0x1  }
0x9a: {  	s8 =	simm.s32 $0xA;
	s9 =	simm.s32 $0xB;
	[sflag:s18] =	ssyncset.done $0x0  }
0x9b: {  	s20 =	smul.u32 $0xC3500, s0;
	s10 =	sshrl.u32 s6, $0x3;
	[sflag:s18] =	ssyncadd.s32 $0xFFFFFFFF  }
0x9c: {  	s6 =	simm.s32 $0xC350;
	s12 =	sadd.s32 $0xC350, s10;
	[smem:$0x3FD2] =	sst s19  }
0x9d: {  	s15 =	sadd.s32 $0x186A0, s10;
	s7 =	sadd.s32 s20, s3;
	_ =	strace $0x80000046  }
0x9e: {  	[spmem:s4], [sflag:s13] =	dma.local [hbm:s7], $0xC350  }
0x9f: {  	s21 =	sadd.s32 s12, s3;
	s11 =	sadd.s32 s15, s3;
	s7 =	simm.s32 $0x186A0  }
0xa0: {  	[spmem:s6], [sflag:s8] =	dma.local [hbm:s21], $0xC350  }
0xa1: {  	[spmem:s7], [sflag:s9] =	dma.local [hbm:s11], $0xC350  }
0xa2: {  	s14 =	simm.s32 $0xC;
	s16 =	sadd.s32 $0x249F0, s10;
	_ =	swait.ge [sflag:s13], $0xC350  }
0xa3: {  	s22 =	sadd.s32 s20, s2;
	s17 =	sadd.s32 s16, s3;
	[sflag:s13] =	ssyncset.done $0x0  }
0xa4: {  	s5 =	simm.s32 $0xD;
	s11 =	simm.s32 $0x249F0;
	[sflag:s13] =	ssyncadd.s32 $0xFFFF3CB0  }
0xa5: {  	[hbm:s22], [sflag:s5] =	dma.local [spmem:s4], $0xC350  }
0xa6: {  	[spmem:s11], [sflag:s14] =	dma.local [hbm:s17], $0xC350  }
0xa7: {  	_ =	swait.ge [sflag:s8], $0xC350  }
0xa8: {  	[sflag:s8] =	ssyncset.done $0x0  }
0xa9: {  	[sflag:s8] =	ssyncadd.s32 $0xFFFF3CB0  }
0xaa: {  	s23 =	sadd.s32 s12, s2;
	s12 =	simm.s32 $0xE  }
0xab: {  	[hbm:s23], [sflag:s12] =	dma.local [spmem:s6], $0xC350  }
0xac: {  	_ =	swait.ge [sflag:s5], $0xC350  }
0xad: {  	[sflag:s5] =	ssyncset.done $0x0  }
0xae: {  	s24 =	sadd.s32 $0x30D40, s10;
	[sflag:s5] =	ssyncadd.s32 $0xFFFF3CB0  }
0xaf: {  	s18 =	sadd.s32 s24, s3  }
0xb0: {  	[spmem:s4], [sflag:s13] =	dma.local [hbm:s18], $0xC350  }
0xb1: {  	_ =	swait.ge [sflag:s9], $0xC350  }
0xb2: {  	[sflag:s9] =	ssyncset.done $0x0  }
0xb3: {  	[sflag:s9] =	ssyncadd.s32 $0xFFFF3CB0  }
0xb4: {  	s25 =	sadd.s32 s15, s2;
	s15 =	simm.s32 $0xF  }
0xb5: {  	[hbm:s25], [sflag:s15] =	dma.local [spmem:s7], $0xC350  }
0xb6: {  	_ =	swait.ge [sflag:s12], $0xC350  }
0xb7: {  	[sflag:s12] =	ssyncset.done $0x0  }
0xb8: {  	s26 =	sadd.s32 $0x3D090, s10;
	[sflag:s12] =	ssyncadd.s32 $0xFFFF3CB0  }
0xb9: {  	s19 =	sadd.s32 s26, s3  }
0xba: {  	[spmem:s6], [sflag:s8] =	dma.local [hbm:s19], $0xC350  }
0xbb: {  	_ =	swait.ge [sflag:s14], $0xC350  }
0xbc: {  	[sflag:s14] =	ssyncset.done $0x0  }
0xbd: {  	[sflag:s14] =	ssyncadd.s32 $0xFFFF3CB0  }
0xbe: {  	s28 =	sadd.s32 s16, s2;
	s16 =	simm.s32 $0x10  }
0xbf: {  	[hbm:s28], [sflag:s16] =	dma.local [spmem:s11], $0xC350  }
0xc0: {  	_ =	swait.ge [sflag:s15], $0xC350  }
0xc1: {  	[sflag:s15] =	ssyncset.done $0x0  }
0xc2: {  	s29 =	sadd.s32 $0x493E0, s10;
	[sflag:s15] =	ssyncadd.s32 $0xFFFF3CB0  }
0xc3: {  	s20 =	sadd.s32 s29, s3  }
0xc4: {  	[spmem:s7], [sflag:s9] =	dma.local [hbm:s20], $0xC350  }
0xc5: {  	_ =	swait.ge [sflag:s13], $0xC350  }
0xc6: {  	[sflag:s13] =	ssyncset.done $0x0  }
0xc7: {  	[sflag:s13] =	ssyncadd.s32 $0xFFFF3CB0  }
0xc8: {  	s17 =	sadd.s32 s24, s2  }
0xc9: {  	[hbm:s17], [sflag:s5] =	dma.local [spmem:s4], $0xC350  }
0xca: {  	_ =	swait.ge [sflag:s16], $0xC350  }
0xcb: {  	[sflag:s16] =	ssyncset.done $0x0  }
0xcc: {  	s30 =	sadd.s32 $0x55730, s10;
	[sflag:s16] =	ssyncadd.s32 $0xFFFF3CB0  }
0xcd: {  	s31 =	sadd.s32 s30, s3  }
0xce: {  	[spmem:s11], [sflag:s14] =	dma.local [hbm:s31], $0xC350  }
0xcf: {  	_ =	swait.ge [sflag:s8], $0xC350  }
0xd0: {  	[sflag:s8] =	ssyncset.done $0x0  }
0xd1: {  	[sflag:s8] =	ssyncadd.s32 $0xFFFF3CB0  }
0xd2: {  	s18 =	sadd.s32 s26, s2  }
0xd3: {  	[hbm:s18], [sflag:s12] =	dma.local [spmem:s6], $0xC350  }
0xd4: {  	_ =	swait.ge [sflag:s5], $0xC350  }
0xd5: {  	[sflag:s5] =	ssyncset.done $0x0  }
0xd6: {  	s21 =	sadd.s32 $0x61A80, s10;
	[sflag:s5] =	ssyncadd.s32 $0xFFFF3CB0  }
0xd7: {  	s22 =	sadd.s32 s21, s3  }
0xd8: {  	[spmem:s4], [sflag:s13] =	dma.local [hbm:s22], $0xC350  }
0xd9: {  	_ =	swait.ge [sflag:s9], $0xC350  }
0xda: {  	[sflag:s9] =	ssyncset.done $0x0  }
0xdb: {  	[sflag:s9] =	ssyncadd.s32 $0xFFFF3CB0  }
0xdc: {  	s19 =	sadd.s32 s29, s2  }
0xdd: {  	[hbm:s19], [sflag:s15] =	dma.local [spmem:s7], $0xC350  }
0xde: {  	_ =	swait.ge [sflag:s12], $0xC350  }
0xdf: {  	[sflag:s12] =	ssyncset.done $0x0  }
0xe0: {  	s23 =	sadd.s32 $0x6DDD0, s10;
	[sflag:s12] =	ssyncadd.s32 $0xFFFF3CB0  }
0xe1: {  	s24 =	sadd.s32 s23, s3  }
0xe2: {  	[spmem:s6], [sflag:s8] =	dma.local [hbm:s24], $0xC350  }
0xe3: {  	_ =	swait.ge [sflag:s14], $0xC350  }
0xe4: {  	[sflag:s14] =	ssyncset.done $0x0  }
0xe5: {  	[sflag:s14] =	ssyncadd.s32 $0xFFFF3CB0  }
0xe6: {  	s17 =	sadd.s32 s30, s2  }
0xe7: {  	[hbm:s17], [sflag:s16] =	dma.local [spmem:s11], $0xC350  }
0xe8: {  	_ =	swait.ge [sflag:s15], $0xC350  }
0xe9: {  	[sflag:s15] =	ssyncset.done $0x0  }
0xea: {  	s25 =	sadd.s32 $0x7A120, s10;
	[sflag:s15] =	ssyncadd.s32 $0xFFFF3CB0  }
0xeb: {  	s26 =	sadd.s32 s25, s3  }
0xec: {  	[spmem:s7], [sflag:s9] =	dma.local [hbm:s26], $0xC350  }
0xed: {  	_ =	swait.ge [sflag:s13], $0xC350  }
0xee: {  	[sflag:s13] =	ssyncset.done $0x0  }
0xef: {  	[sflag:s13] =	ssyncadd.s32 $0xFFFF3CB0  }
0xf0: {  	s18 =	sadd.s32 s21, s2  }
0xf1: {  	[hbm:s18], [sflag:s5] =	dma.local [spmem:s4], $0xC350  }
0xf2: {  	_ =	swait.ge [sflag:s16], $0xC350  }
0xf3: {  	[sflag:s16] =	ssyncset.done $0x0  }
0xf4: {  	s28 =	sadd.s32 $0x86470, s10;
	[sflag:s16] =	ssyncadd.s32 $0xFFFF3CB0  }
0xf5: {  	s29 =	sadd.s32 s28, s3  }
0xf6: {  	[spmem:s11], [sflag:s14] =	dma.local [hbm:s29], $0xC350  }
0xf7: {  	_ =	swait.ge [sflag:s8], $0xC350  }
0xf8: {  	[sflag:s8] =	ssyncset.done $0x0  }
0xf9: {  	[sflag:s8] =	ssyncadd.s32 $0xFFFF3CB0  }
0xfa: {  	s19 =	sadd.s32 s23, s2  }
0xfb: {  	[hbm:s19], [sflag:s12] =	dma.local [spmem:s6], $0xC350  }
0xfc: {  	_ =	swait.ge [sflag:s5], $0xC350  }
0xfd: {  	[sflag:s5] =	ssyncset.done $0x0  }
0xfe: {  	s30 =	sadd.s32 $0x927C0, s10;
	[sflag:s5] =	ssyncadd.s32 $0xFFFF3CB0  }
0xff: {  	s31 =	sadd.s32 s30, s3  }
0x100: {  	[spmem:s4], [sflag:s13] =	dma.local [hbm:s31], $0xC350  }
0x101: {  	_ =	swait.ge [sflag:s9], $0xC350  }
0x102: {  	[sflag:s9] =	ssyncset.done $0x0  }
0x103: {  	[sflag:s9] =	ssyncadd.s32 $0xFFFF3CB0  }
0x104: {  	s17 =	sadd.s32 s25, s2  }
0x105: {  	[hbm:s17], [sflag:s15] =	dma.local [spmem:s7], $0xC350  }
0x106: {  	_ =	swait.ge [sflag:s12], $0xC350  }
0x107: {  	[sflag:s12] =	ssyncset.done $0x0  }
0x108: {  	s21 =	sadd.s32 $0x9EB10, s10;
	[sflag:s12] =	ssyncadd.s32 $0xFFFF3CB0  }
0x109: {  	s22 =	sadd.s32 s21, s3  }
0x10a: {  	[spmem:s6], [sflag:s8] =	dma.local [hbm:s22], $0xC350  }
0x10b: {  	_ =	swait.ge [sflag:s14], $0xC350  }
0x10c: {  	[sflag:s14] =	ssyncset.done $0x0  }
0x10d: {  	[sflag:s14] =	ssyncadd.s32 $0xFFFF3CB0  }
0x10e: {  	s18 =	sadd.s32 s28, s2  }
0x10f: {  	[hbm:s18], [sflag:s16] =	dma.local [spmem:s11], $0xC350  }
0x110: {  	_ =	swait.ge [sflag:s15], $0xC350  }
0x111: {  	[sflag:s15] =	ssyncset.done $0x0  }
0x112: {  	s23 =	sadd.s32 $0xAAE60, s10;
	[sflag:s15] =	ssyncadd.s32 $0xFFFF3CB0  }
0x113: {  	s24 =	sadd.s32 s23, s3  }
0x114: {  	[spmem:s7], [sflag:s9] =	dma.local [hbm:s24], $0xC350  }
0x115: {  	_ =	swait.ge [sflag:s13], $0xC350  }
0x116: {  	[sflag:s13] =	ssyncset.done $0x0  }
0x117: {  	[sflag:s13] =	ssyncadd.s32 $0xFFFF3CB0  }
0x118: {  	s25 =	sadd.s32 s30, s2  }
0x119: {  	[hbm:s25], [sflag:s5] =	dma.local [spmem:s4], $0xC350  }
0x11a: {  	_ =	swait.ge [sflag:s16], $0xC350  }
0x11b: {  	[sflag:s16] =	ssyncset.done $0x0  }
0x11c: {  	s26 =	sadd.s32 $0xB71B0, s10;
	[sflag:s16] =	ssyncadd.s32 $0xFFFF3CB0  }
0x11d: {  	s3 =	sadd.s32 s26, s3  }
0x11e: {  	[spmem:s11], [sflag:s14] =	dma.local [hbm:s3], $0xC350  }
0x11f: {  	_ =	swait.ge [sflag:s8], $0xC350  }
0x120: {  	[sflag:s8] =	ssyncset.done $0x0  }
0x121: {  	[sflag:s8] =	ssyncadd.s32 $0xFFFF3CB0  }
0x122: {  	s28 =	sadd.s32 s21, s2  }
0x123: {  	[hbm:s28], [sflag:s12] =	dma.local [spmem:s6], $0xC350  }
0x124: {  	_ =	swait.ge [sflag:s9], $0xC350  }
0x125: {  	[sflag:s9] =	ssyncset.done $0x0  }
0x126: {  	[sflag:s9] =	ssyncadd.s32 $0xFFFF3CB0  }
0x127: {  	s29 =	sadd.s32 s23, s2  }
0x128: {  	[hbm:s29], [sflag:s15] =	dma.local [spmem:s7], $0xC350  }
0x129: {  	_ =	swait.ge [sflag:s14], $0xC350  }
0x12a: {  	[sflag:s14] =	ssyncset.done $0x0  }
0x12b: {  	[sflag:s14] =	ssyncadd.s32 $0xFFFF3CB0  }
0x12c: {  	s2 =	sadd.s32 s26, s2  }
0x12d: {  	[hbm:s2], [sflag:s16] =	dma.local [spmem:s11], $0xC350  }
0x12e: {  	_ =	swait.ge [sflag:s5], $0xC350  }
0x12f: {  	[sflag:s5] =	ssyncset.done $0x0  }
0x130: {  	[sflag:s5] =	ssyncadd.s32 $0xFFFF3CB0;
	_ =	sdelay $0x2  }
0x131: {  	_ =	swait.ge [sflag:s12], $0xC350  }
0x132: {  	[sflag:s12] =	ssyncset.done $0x0  }
0x133: {  	[sflag:s12] =	ssyncadd.s32 $0xFFFF3CB0;
	_ =	sdelay $0x2  }
0x134: {  	_ =	swait.ge [sflag:s15], $0xC350  }
0x135: {  	[sflag:s15] =	ssyncset.done $0x0  }
0x136: {  	[sflag:s15] =	ssyncadd.s32 $0xFFFF3CB0;
	_ =	sdelay $0x2  }
0x137: {  	_ =	swait.ge [sflag:s16], $0xC350  }
0x138: {  	[sflag:s16] =	ssyncset.done $0x0  }
0x139: {  	[sflag:s16] =	ssyncadd.s32 $0xFFFF3CB0  }
0x13a: {  	_ =	strace $0x90000046  }
0x13b: {  	_ =	sfence  }
0x13c: {  	s30 =	sld [smem:$0x0];
	_ =	sdelay $0x2  }
0x13d: {  	s31 =	sshll.u32 s1, $0xD;
	s1 =	sshrl.u32 s1, $0x2  }
0x13e: {  	s3 =	sand.u32 $0x4000, s31;
	s1 =	sadd.s32 s1, s30  }
0x13f: {  	s0 =	sor.u32 s3, s0;
	s1 =	sshll.u32 s1, $0x11  }
0x140: {  	s0 =	sor.u32 s1, s0  }
0x141: {  	s0 =	sadd.s32 $0x8F2B, s0;
	(pc) =	sbr.abs _section_cstart, $3  }
0x142: {  	[sflag:s0] =	ssyncadd.remote.s32 $0x1  }
0x143: {  	_ =	strace $0x9FFFFFFF  }
0x144: {  	(tm) =	ssettm $0x7FFFFFFF  }
0x145: {  	_ =	shalt  }

</sc_bundles>
